<compile_context>
chip_gen: v7x
topology: tpu7x:2x2x1
jax: 0.10.2.dev20260603
libtpu: 0.0.44.dev20260713+nightly
codegen_flags: <defaults>
</compile_context>

<pallas_src>
import functools

import jax
import jax.numpy as jnp
from jax import lax
from jax.experimental import pallas as pl
from jax.experimental.pallas import tpu as pltpu
from jax.experimental.pallas import tpu_sc as plsc

_NUM_ROWS = 128
_ROW_DIM = 3
_LANES = 16


def _broadcast_lane0(v):
    zeros = jnp.zeros((_LANES,), jnp.int32)
    dnums = lax.GatherDimensionNumbers(
        offset_dims=(), collapsed_slice_dims=(0,), start_index_map=(0,))
    return lax.gather(
        v, zeros[:, None], dnums, (1,),
        mode=lax.GatherScatterMode.PROMISE_IN_BOUNDS)


def _sc_lookup(view_ids, rot_weight, trans_weight):
    mesh = plsc.VectorSubcoreMesh(
        core_axis_name="c", subcore_axis_name="s", num_cores=1,
        num_subcores=2)

    @functools.partial(
        pl.kernel,
        mesh=mesh,
        out_type=(
            jax.ShapeDtypeStruct((1, _ROW_DIM), jnp.float32),
            jax.ShapeDtypeStruct((1, _ROW_DIM), jnp.float32),
        ),
        scratch_types=[
            pltpu.VMEM((_LANES,), jnp.int32),
            pltpu.VMEM((_NUM_ROWS, _ROW_DIM), jnp.float32),
            pltpu.VMEM((_LANES,), jnp.float32),
            pltpu.SemaphoreType.DMA,
        ],
        compiler_params=pltpu.CompilerParams(
            use_tc_tiling_on_sc=False, needs_layout_passes=False),
    )
    def body(idx_hbm, rot_hbm, trans_hbm, theta_hbm, rho_hbm,
             idx_v, tab_v, row_v, sem):
        sid = lax.axis_index("s")

        def lookup(tab_hbm, out_hbm):
            a = pltpu.async_copy(idx_hbm, idx_v.at[pl.ds(0, 1)], sem)
            b = pltpu.async_copy(tab_hbm, tab_v, sem)
            a.wait()
            b.wait()
            row = _broadcast_lane0(idx_v[...])
            col = jnp.minimum(lax.iota(jnp.int32, _LANES), _ROW_DIM - 1)
            row_v[...] = plsc.load_gather(tab_v, [row, col])
            pltpu.sync_copy(row_v.at[pl.ds(0, _ROW_DIM)], out_hbm.at[0])

        @pl.when(sid == 0)
        def _():
            lookup(rot_hbm, theta_hbm)

        @pl.when(sid == 1)
        def _():
            lookup(trans_hbm, rho_hbm)

    return body(view_ids, rot_weight, trans_weight)


def kernel(view_ids, rot_weight, trans_weight):
    idx = view_ids[:1].astype(jnp.int32)
    theta, rho = _sc_lookup(idx, rot_weight, trans_weight)
    return (theta, rho)

# --- scband reference (transcript-rebuilt; emitter-appended) ---
"""Pipeline reference for scband-fast-gscamera-opt-module-16088947490827 (READ-ONLY COPY).

The authoritative reference and input builder live on the scoring server;
editing this copy changes nothing except your own understanding.
"""

import jax, jax.numpy as jnp
import numpy as np

NUM_VIEWS = 128

def setup_inputs(seed: int = 0) -> dict:
    key = jax.random.key(seed)
    k1, k2, k3 = jax.random.split(key, 3)
    view_ids = jax.random.randint(k1, (1,), 0, NUM_VIEWS, dtype=jnp.int64 if jax.config.jax_enable_x64 else jnp.int32)
    # Learned parameters: nn.Embedding(len(view_ids), 3) default init ~ N(0,1)
    rot_weight = jax.random.normal(k2, (NUM_VIEWS, 3), dtype=jnp.float32)
    trans_weight = jax.random.normal(k3, (NUM_VIEWS, 3), dtype=jnp.float32)
    return {"view_ids": view_ids, "rot_weight": rot_weight, "trans_weight": trans_weight}

def reference(view_ids, rot_weight, trans_weight):
    # view_id_to_embed maps view_id i -> index i (view_ids = range(NUM_VIEWS)),
    # so the dict lookup is the identity mapping.
    embed_idx = view_ids[:1].astype(jnp.int32)  # shape [1]
    theta = jnp.take(rot_weight, embed_idx, axis=0)   # [1, 3]
    rho = jnp.take(trans_weight, embed_idx, axis=0)   # [1, 3]
    return (theta, rho)

if __name__ == "__main__":
    import jax
    _d = setup_inputs()
    print(jax.jit(kernel)(*tuple(_d.values())))

</pallas_src>

<mosaic_0001>
#map = affine_map<(d0, d1) -> (0)>
#map1 = affine_map<(d0, d1) -> (0, 0)>
module attributes {stable_mosaic.version = 14 : i64} {
  func.func @body(%arg0: i32, %arg1: i32, %arg2: memref<1xi32, #tpu.memory_space<hbm>>, %arg3: memref<128x3xf32, #tpu.memory_space<hbm>>, %arg4: memref<128x3xf32, #tpu.memory_space<hbm>>, %arg5: memref<1x3xf32, #tpu.memory_space<hbm>>, %arg6: memref<1x3xf32, #tpu.memory_space<hbm>>, %arg7: memref<16xi32, #tpu.memory_space<vmem>>, %arg8: memref<128x3xf32, #tpu.memory_space<vmem>>, %arg9: memref<16xf32, #tpu.memory_space<vmem>>, %arg10: memref<!tpu.dma_semaphore, #tpu.memory_space<semaphore_mem>>) attributes {dimension_semantics = [#tpu.dimension_semantics<core_parallel>, #tpu.dimension_semantics<subcore_parallel>], iteration_bounds = array<i64: 1, 2>, scalar_prefetch = 0 : i64, scratch_operands = 4 : i64, tpu.core_type = #tpu.core_type<sc_vector_subcore>, window_params = [{transform_indices = #map}, {transform_indices = #map1}, {transform_indices = #map1}, {transform_indices = #map1}, {transform_indices = #map1}]} {
    %eq3A = arith.constant 0 : i32
    %eq3A_0 = arith.cmpi eq, %arg1, %eq3A : i32
    %convert_element_type3A = arith.extui %eq3A_0 : i1 to i32
    %cond3A = arith.constant 0 : i32
    %cond3A_1 = arith.cmpi ne, %convert_element_type3A, %cond3A : i32
    scf.if %cond3A_1 {
      %dma_start3A = arith.constant 0 : i32
      %dma_start3A_7 = tpu.memref_slice %arg7[%dma_start3A] : memref<16xi32, #tpu.memory_space<vmem>> -> memref<1xi32, #tpu.memory_space<vmem>>
      %dma_start3A_8 = arith.constant 0 : i32
      %dma_start3A_9 = tpu.memref_slice %arg7[%dma_start3A_8] : memref<16xi32, #tpu.memory_space<vmem>> -> memref<1xi32, #tpu.memory_space<vmem>>
      tpu.enqueue_dma source(%arg2 : memref<1xi32, #tpu.memory_space<hbm>>) target(%dma_start3A_9 : memref<1xi32, #tpu.memory_space<vmem>>) target_semaphore(%arg10 : memref<!tpu.dma_semaphore, #tpu.memory_space<semaphore_mem>>)
      tpu.enqueue_dma source(%arg3 : memref<128x3xf32, #tpu.memory_space<hbm>>) target(%arg8 : memref<128x3xf32, #tpu.memory_space<vmem>>) target_semaphore(%arg10 : memref<!tpu.dma_semaphore, #tpu.memory_space<semaphore_mem>>)
      %dma_wait3A = arith.constant 0 : i32
      %dma_wait3A_10 = tpu.memref_slice %arg7[%dma_wait3A] : memref<16xi32, #tpu.memory_space<vmem>> -> memref<1xi32, #tpu.memory_space<vmem>>
      %dma_wait3A_11 = arith.constant 0 : i32
      %dma_wait3A_12 = tpu.memref_slice %arg7[%dma_wait3A_11] : memref<16xi32, #tpu.memory_space<vmem>> -> memref<1xi32, #tpu.memory_space<vmem>>
      tpu.wait_dma2 semaphore(%arg10 : memref<!tpu.dma_semaphore, #tpu.memory_space<semaphore_mem>>) src(%arg2 : memref<1xi32, #tpu.memory_space<hbm>>) dst(%dma_wait3A_12 : memref<1xi32, #tpu.memory_space<vmem>>)
      tpu.wait_dma2 semaphore(%arg10 : memref<!tpu.dma_semaphore, #tpu.memory_space<semaphore_mem>>) src(%arg3 : memref<128x3xf32, #tpu.memory_space<hbm>>) dst(%arg8 : memref<128x3xf32, #tpu.memory_space<vmem>>)
      %get3A = arith.constant 0 : index
      %get3A_13 = tpu.vector_load %arg7[%get3A] {strides = array<i32>} : memref<16xi32, #tpu.memory_space<vmem>>, vector<16xi32>,
      %broadcast_in_dim3A = arith.constant 0 : i32
      %broadcast_in_dim3A_14 = vector.broadcast %broadcast_in_dim3A : i32 to vector<16xi32>
      %broadcast_in_dim3A_15 = vector.shape_cast %broadcast_in_dim3A_14 : vector<16xi32> to vector<16x1xi32>
      %gather3A = vector.shape_cast %broadcast_in_dim3A_15 : vector<16x1xi32> to vector<16xi32>
      %gather3A_16 = tpu.dynamic_gather %get3A_13[%gather3A] in [0] : vector<16xi32>, vector<16xi32> -> vector<16xi32>
      %iota3A = tpu.iota {dimensions = array<i32: 0>} : vector<16xi32>
      %min3A = arith.constant 2 : i32
      %min3A_17 = vector.broadcast %min3A : i32 to vector<16xi32>
      %min3A_18 = arith.minsi %iota3A, %min3A_17 : vector<16xi32>
      %gather3A_19 = tpu.vector_load_idx %arg8[%gather3A_16, %min3A_18] : memref<128x3xf32, #tpu.memory_space<vmem>>[vector<16xi32>, vector<16xi32>], vector<16xf32>,
      %swap3A = arith.constant 0 : index
      %swap3A_20 = tpu.vector_load %arg9[%swap3A] {strides = array<i32>} : memref<16xf32, #tpu.memory_space<vmem>>, vector<16xf32>,
      tpu.vector_store %arg9[%swap3A], %gather3A_19 {strides = array<i32>} : memref<16xf32, #tpu.memory_space<vmem>>, vector<16xf32>,
      %run_scoped3A = arith.constant 0 : i32
      "tpu.region"() ({
        %run_scoped3A_21 = tpu.sem_alloc : memref<!tpu.dma_semaphore, #tpu.memory_space<semaphore_mem>>
        %dma_start3A_22 = arith.constant 0 : i32
        %dma_start3A_23 = tpu.memref_slice %arg9[%dma_start3A_22] : memref<16xf32, #tpu.memory_space<vmem>> -> memref<3xf32, #tpu.memory_space<vmem>>
        %dma_start3A_24 = arith.constant 0 : i32
        %dma_start3A_25 = tpu.memref_slice %arg5[%run_scoped3A, %dma_start3A_24] : memref<1x3xf32, #tpu.memory_space<hbm>> -> memref<1x3xf32, #tpu.memory_space<hbm>>
        %dma_start3A_26 = tpu.memref_squeeze %dma_start3A_25 : memref<1x3xf32, #tpu.memory_space<hbm>> -> memref<3xf32, #tpu.memory_space<hbm>>
        %dma_start3A_27 = arith.constant 0 : i32
        %dma_start3A_28 = tpu.memref_slice %arg5[%run_scoped3A, %dma_start3A_27] : memref<1x3xf32, #tpu.memory_space<hbm>> -> memref<1x3xf32, #tpu.memory_space<hbm>>
        %dma_start3A_29 = tpu.memref_squeeze %dma_start3A_28 : memref<1x3xf32, #tpu.memory_space<hbm>> -> memref<3xf32, #tpu.memory_space<hbm>>
        %dma_start3A_30 = arith.constant 0 : i32
        %dma_start3A_31 = tpu.memref_slice %arg9[%dma_start3A_30] : memref<16xf32, #tpu.memory_space<vmem>> -> memref<3xf32, #tpu.memory_space<vmem>>
        tpu.enqueue_dma source(%dma_start3A_31 : memref<3xf32, #tpu.memory_space<vmem>>) target(%dma_start3A_29 : memref<3xf32, #tpu.memory_space<hbm>>) target_semaphore(%run_scoped3A_21 : memref<!tpu.dma_semaphore, #tpu.memory_space<semaphore_mem>>)
        %dma_wait3A_32 = arith.constant 0 : i32
        %dma_wait3A_33 = tpu.memref_slice %arg9[%dma_wait3A_32] : memref<16xf32, #tpu.memory_space<vmem>> -> memref<3xf32, #tpu.memory_space<vmem>>
        %dma_wait3A_34 = arith.constant 0 : i32
        %dma_wait3A_35 = tpu.memref_slice %arg5[%run_scoped3A, %dma_wait3A_34] : memref<1x3xf32, #tpu.memory_space<hbm>> -> memref<1x3xf32, #tpu.memory_space<hbm>>
        %dma_wait3A_36 = tpu.memref_squeeze %dma_wait3A_35 : memref<1x3xf32, #tpu.memory_space<hbm>> -> memref<3xf32, #tpu.memory_space<hbm>>
        %dma_wait3A_37 = arith.constant 0 : i32
        %dma_wait3A_38 = tpu.memref_slice %arg5[%run_scoped3A, %dma_wait3A_37] : memref<1x3xf32, #tpu.memory_space<hbm>> -> memref<1x3xf32, #tpu.memory_space<hbm>>
        %dma_wait3A_39 = tpu.memref_squeeze %dma_wait3A_38 : memref<1x3xf32, #tpu.memory_space<hbm>> -> memref<3xf32, #tpu.memory_space<hbm>>
        %dma_wait3A_40 = arith.constant 0 : i32
        %dma_wait3A_41 = tpu.memref_slice %arg9[%dma_wait3A_40] : memref<16xf32, #tpu.memory_space<vmem>> -> memref<3xf32, #tpu.memory_space<vmem>>
        tpu.wait_dma2 semaphore(%run_scoped3A_21 : memref<!tpu.dma_semaphore, #tpu.memory_space<semaphore_mem>>) src(%dma_wait3A_41 : memref<3xf32, #tpu.memory_space<vmem>>) dst(%dma_wait3A_39 : memref<3xf32, #tpu.memory_space<hbm>>)
        tpu.yield
      }) : () -> ()
    } else {
    }
    %eq3A_2 = arith.constant 1 : i32
    %eq3A_3 = arith.cmpi eq, %arg1, %eq3A_2 : i32
    %convert_element_type3A_4 = arith.extui %eq3A_3 : i1 to i32
    %cond3A_5 = arith.constant 0 : i32
    %cond3A_6 = arith.cmpi ne, %convert_element_type3A_4, %cond3A_5 : i32
    scf.if %cond3A_6 {
      %dma_start3A = arith.constant 0 : i32
      %dma_start3A_7 = tpu.memref_slice %arg7[%dma_start3A] : memref<16xi32, #tpu.memory_space<vmem>> -> memref<1xi32, #tpu.memory_space<vmem>>
      %dma_start3A_8 = arith.constant 0 : i32
      %dma_start3A_9 = tpu.memref_slice %arg7[%dma_start3A_8] : memref<16xi32, #tpu.memory_space<vmem>> -> memref<1xi32, #tpu.memory_space<vmem>>
      tpu.enqueue_dma source(%arg2 : memref<1xi32, #tpu.memory_space<hbm>>) target(%dma_start3A_9 : memref<1xi32, #tpu.memory_space<vmem>>) target_semaphore(%arg10 : memref<!tpu.dma_semaphore, #tpu.memory_space<semaphore_mem>>)
      tpu.enqueue_dma source(%arg4 : memref<128x3xf32, #tpu.memory_space<hbm>>) target(%arg8 : memref<128x3xf32, #tpu.memory_space<vmem>>) target_semaphore(%arg10 : memref<!tpu.dma_semaphore, #tpu.memory_space<semaphore_mem>>)
      %dma_wait3A = arith.constant 0 : i32
      %dma_wait3A_10 = tpu.memref_slice %arg7[%dma_wait3A] : memref<16xi32, #tpu.memory_space<vmem>> -> memref<1xi32, #tpu.memory_space<vmem>>
      %dma_wait3A_11 = arith.constant 0 : i32
      %dma_wait3A_12 = tpu.memref_slice %arg7[%dma_wait3A_11] : memref<16xi32, #tpu.memory_space<vmem>> -> memref<1xi32, #tpu.memory_space<vmem>>
      tpu.wait_dma2 semaphore(%arg10 : memref<!tpu.dma_semaphore, #tpu.memory_space<semaphore_mem>>) src(%arg2 : memref<1xi32, #tpu.memory_space<hbm>>) dst(%dma_wait3A_12 : memref<1xi32, #tpu.memory_space<vmem>>)
      tpu.wait_dma2 semaphore(%arg10 : memref<!tpu.dma_semaphore, #tpu.memory_space<semaphore_mem>>) src(%arg4 : memref<128x3xf32, #tpu.memory_space<hbm>>) dst(%arg8 : memref<128x3xf32, #tpu.memory_space<vmem>>)
      %get3A = arith.constant 0 : index
      %get3A_13 = tpu.vector_load %arg7[%get3A] {strides = array<i32>} : memref<16xi32, #tpu.memory_space<vmem>>, vector<16xi32>,
      %broadcast_in_dim3A = arith.constant 0 : i32
      %broadcast_in_dim3A_14 = vector.broadcast %broadcast_in_dim3A : i32 to vector<16xi32>
      %broadcast_in_dim3A_15 = vector.shape_cast %broadcast_in_dim3A_14 : vector<16xi32> to vector<16x1xi32>
      %gather3A = vector.shape_cast %broadcast_in_dim3A_15 : vector<16x1xi32> to vector<16xi32>
      %gather3A_16 = tpu.dynamic_gather %get3A_13[%gather3A] in [0] : vector<16xi32>, vector<16xi32> -> vector<16xi32>
      %iota3A = tpu.iota {dimensions = array<i32: 0>} : vector<16xi32>
      %min3A = arith.constant 2 : i32
      %min3A_17 = vector.broadcast %min3A : i32 to vector<16xi32>
      %min3A_18 = arith.minsi %iota3A, %min3A_17 : vector<16xi32>
      %gather3A_19 = tpu.vector_load_idx %arg8[%gather3A_16, %min3A_18] : memref<128x3xf32, #tpu.memory_space<vmem>>[vector<16xi32>, vector<16xi32>], vector<16xf32>,
      %swap3A = arith.constant 0 : index
      %swap3A_20 = tpu.vector_load %arg9[%swap3A] {strides = array<i32>} : memref<16xf32, #tpu.memory_space<vmem>>, vector<16xf32>,
      tpu.vector_store %arg9[%swap3A], %gather3A_19 {strides = array<i32>} : memref<16xf32, #tpu.memory_space<vmem>>, vector<16xf32>,
      %run_scoped3A = arith.constant 0 : i32
      "tpu.region"() ({
        %run_scoped3A_21 = tpu.sem_alloc : memref<!tpu.dma_semaphore, #tpu.memory_space<semaphore_mem>>
        %dma_start3A_22 = arith.constant 0 : i32
        %dma_start3A_23 = tpu.memref_slice %arg9[%dma_start3A_22] : memref<16xf32, #tpu.memory_space<vmem>> -> memref<3xf32, #tpu.memory_space<vmem>>
        %dma_start3A_24 = arith.constant 0 : i32
        %dma_start3A_25 = tpu.memref_slice %arg6[%run_scoped3A, %dma_start3A_24] : memref<1x3xf32, #tpu.memory_space<hbm>> -> memref<1x3xf32, #tpu.memory_space<hbm>>
        %dma_start3A_26 = tpu.memref_squeeze %dma_start3A_25 : memref<1x3xf32, #tpu.memory_space<hbm>> -> memref<3xf32, #tpu.memory_space<hbm>>
        %dma_start3A_27 = arith.constant 0 : i32
        %dma_start3A_28 = tpu.memref_slice %arg6[%run_scoped3A, %dma_start3A_27] : memref<1x3xf32, #tpu.memory_space<hbm>> -> memref<1x3xf32, #tpu.memory_space<hbm>>
        %dma_start3A_29 = tpu.memref_squeeze %dma_start3A_28 : memref<1x3xf32, #tpu.memory_space<hbm>> -> memref<3xf32, #tpu.memory_space<hbm>>
        %dma_start3A_30 = arith.constant 0 : i32
        %dma_start3A_31 = tpu.memref_slice %arg9[%dma_start3A_30] : memref<16xf32, #tpu.memory_space<vmem>> -> memref<3xf32, #tpu.memory_space<vmem>>
        tpu.enqueue_dma source(%dma_start3A_31 : memref<3xf32, #tpu.memory_space<vmem>>) target(%dma_start3A_29 : memref<3xf32, #tpu.memory_space<hbm>>) target_semaphore(%run_scoped3A_21 : memref<!tpu.dma_semaphore, #tpu.memory_space<semaphore_mem>>)
        %dma_wait3A_32 = arith.constant 0 : i32
        %dma_wait3A_33 = tpu.memref_slice %arg9[%dma_wait3A_32] : memref<16xf32, #tpu.memory_space<vmem>> -> memref<3xf32, #tpu.memory_space<vmem>>
        %dma_wait3A_34 = arith.constant 0 : i32
        %dma_wait3A_35 = tpu.memref_slice %arg6[%run_scoped3A, %dma_wait3A_34] : memref<1x3xf32, #tpu.memory_space<hbm>> -> memref<1x3xf32, #tpu.memory_space<hbm>>
        %dma_wait3A_36 = tpu.memref_squeeze %dma_wait3A_35 : memref<1x3xf32, #tpu.memory_space<hbm>> -> memref<3xf32, #tpu.memory_space<hbm>>
        %dma_wait3A_37 = arith.constant 0 : i32
        %dma_wait3A_38 = tpu.memref_slice %arg6[%run_scoped3A, %dma_wait3A_37] : memref<1x3xf32, #tpu.memory_space<hbm>> -> memref<1x3xf32, #tpu.memory_space<hbm>>
        %dma_wait3A_39 = tpu.memref_squeeze %dma_wait3A_38 : memref<1x3xf32, #tpu.memory_space<hbm>> -> memref<3xf32, #tpu.memory_space<hbm>>
        %dma_wait3A_40 = arith.constant 0 : i32
        %dma_wait3A_41 = tpu.memref_slice %arg9[%dma_wait3A_40] : memref<16xf32, #tpu.memory_space<vmem>> -> memref<3xf32, #tpu.memory_space<vmem>>
        tpu.wait_dma2 semaphore(%run_scoped3A_21 : memref<!tpu.dma_semaphore, #tpu.memory_space<semaphore_mem>>) src(%dma_wait3A_41 : memref<3xf32, #tpu.memory_space<vmem>>) dst(%dma_wait3A_39 : memref<3xf32, #tpu.memory_space<hbm>>)
        tpu.yield
      }) : () -> ()
    } else {
    }
    return
  }
}

</mosaic_0001>

<sc_bundles>
// kernel: kernel.3.cloned.1.call-start
scs
__scs_entry_jumppad:
0x0: {  	(pc) =	sbr.rel $0x88, $3  }
0x1: {  	(tag) =	ssettag $0x0;
	lr =	simm.s32 $0x1  }
0x2: {  	[smem:$0x3F9E] =	sst lr;
	_ =	strace $0xD0000000  }
0x3: {  	_ = 	snop  }
0x4: {  	_ = 	snop  }
0x5: {  	_ = 	snop  }
0x6: {  	_ = 	snop  }
0x7: {  	_ = 	snop  }
__scs_overlays_trampoline_lowered:
0x8: {  	[smem:$0x3FAD] =	sst s0  }
0x9: {  	[smem:$0x3FAE] =	sst s1  }
0xa: {  	[smem:$0x3FAF] =	sst s2  }
0xb: {  	[smem:$0x3FB0] =	sst s3  }
0xc: {  	[smem:$0x3FB1] =	sst s4  }
0xd: {  	[smem:$0x3FB2] =	sst s5  }
0xe: {  	[smem:$0x3FB3] =	sst s6  }
0xf: {  	[smem:$0x3FB4] =	sst s7  }
0x10: {  	[smem:$0x3FB5] =	sst s8  }
0x11: {  	[smem:$0x3FB6] =	sst s9;
	s0 =	simm.s32 @!p0 $0x0  }
0x12: {  	s1 =	sld [smem:$0x3F9C];
	s0 =	simm.s32 @p0 $0x1  }
0x13: {  	[smem:$0x3FB7] =	sst s0;
	s0 =	simm.s32 @!p1 $0x0  }
0x14: {  	s2 =	sld [smem:$0x3F9B];
	s0 =	simm.s32 @p1 $0x1  }
0x15: {  	[smem:$0x3FB8] =	sst s0;
	s0 =	simm.s32 @!p2 $0x0  }
0x16: {  	s3 =	sld [smem:$0x3FDB];
	s0 =	simm.s32 @p2 $0x1  }
0x17: {  	s4 =	simm.s32 $0x1BF5;
	[smem:$0x3FBA] =	sst s0  }
0x18: {  	s0 =	sld [smem:$0x3F9D];
	_ =	swait.ge [sflag:s4], $0x0  }
0x19: {  	s7 =	sld [smem:$0x3F9E]  }
0x1a: {  	s8 =	sadd.s32 $0xFFFFE003, lr  }
0x1b: {  	s9 =	sadd.s32 $0xFFFFFEF7, lr;
	s5 =	simm.s32 $0xFFFFFFFF;
	p2 =	slt.u32 s8, $0xFFFFF086  }
0x1c: {  	p1 =	slt.u32 s9, $0xF7A;
	s5 =	simm.s32 @!p2 $0x0  }
0x1d: {  	s5 =	simm.s32 @p1 $0x1;
	p0 =	seq.s32 s7, s2  }
0x1e: {  	s7 =	smul.u32 @!p0 $0xF7A, s2;
	p2 =	seq.s32 @!p0 s5, $0x0  }
0x1f: {  	s9 =	smul.u32 $0xF7A, s1;
	s8 =	simm.s32 @!p0 $0x1BF5;
	p2 =	por !p2, p0  }
0x20: {  	[sflag:s8] =	ssyncset.s32 @!p0 $0xFFFFF086;
	s6 =	sadd.s32 @!p0 s3, s7;
	s7 =	simm.s32 @!p0 $0x108  }
0x21: {  	s3 =	sadd.s32 s3, s9;
	s6 =	sadd.s32 @!p0 $0x88, s6;
	s7 =	simm.s32 @p2 $0x1082  }
0x22: {  	[simem:s7], [sflag:s8] =	dma.local @!p0 [hbm:s6], $0xF7A  }
0x23: {  	s9 =	sor.u32 $0xD0000000, s2;
	s6 =	simm.s32 $0x108;
	_ =	swait.ge @!p0 [sflag:s8], $0x0  }
0x24: {  	s3 =	sadd.s32 $0x88, s3;
	s6 =	simm.s32 @!p1 $0x1082;
	[sflag:s4] =	ssyncset.s32 $0xFFFFF086  }
0x25: {  	[simem:s6], [sflag:s4] =	dma.local [hbm:s3], $0xF7A  }
0x26: {  	[smem:$0x3F9E] =	sst s1;
	(tag) =	ssettag s2;
	_ =	strace s9  }
0x27: {  	s1 =	sld [smem:$0x3FAE]  }
0x28: {  	s2 =	sld [smem:$0x3FAF]  }
0x29: {  	s4 =	sld [smem:$0x3FB1]  }
0x2a: {  	p0 =	seq.s32 s5, $0x0;
	s5 =	sld [smem:$0x3FB2]  }
0x2b: {  	s6 =	sld [smem:$0x3FB3]  }
0x2c: {  	s7 =	sld [smem:$0x3FB4]  }
0x2d: {  	s3 =	simm.s32 $0x108;
	s8 =	sld [smem:$0x3FB5]  }
0x2e: {  	s3 =	simm.s32 @!p0 $0x1082;
	s9 =	sld [smem:$0x3FB6]  }
0x2f: {  	lr =	sadd.s32 s0, s3;
	s0 =	sld [smem:$0x3FAD]  }
0x30: {  	s3 =	sld [smem:$0x3FB0]  }
0x31: {  	[smem:$0x3FB9] =	sst s10  }
0x32: {  	s10 =	sld [smem:$0x3FB7];
	_ =	sdelay $0x3  }
0x33: {  	p0 =	seq.s32 s10, $0x1;
	s10 =	sld [smem:$0x3FB9];
	_ =	sdelay $0x3  }
0x34: {  	[smem:$0x3FB9] =	sst s10  }
0x35: {  	s10 =	sld [smem:$0x3FB8];
	_ =	sdelay $0x3  }
0x36: {  	p1 =	seq.s32 s10, $0x1;
	s10 =	sld [smem:$0x3FB9];
	_ =	sdelay $0x3  }
0x37: {  	[smem:$0x3FB9] =	sst s10  }
0x38: {  	s10 =	sld [smem:$0x3FBA]  }
0x39: {  	_ = 	snop;
	(pc) =	sbr.ind lr, $3  }
0x3a: {  	_ = 	snop  }
0x3b: {  	_ = 	snop  }
0x3c: {  	p2 =	seq.s32 s10, $0x1;
	s10 =	sld [smem:$0x3FB9]  }
0x3d: {  	_ =	shalt  }
0x3e: {  	_ =	shalt  }
0x3f: {  	_ =	shalt  }
0x40: {  	_ =	shalt  }
0x41: {  	_ =	shalt  }
0x42: {  	_ =	shalt  }
0x43: {  	_ =	shalt  }
0x44: {  	_ =	shalt  }
0x45: {  	_ =	shalt  }
0x46: {  	_ =	shalt  }
0x47: {  	_ =	shalt  }
0x48: {  	_ =	shalt  }
0x49: {  	_ =	shalt  }
0x4a: {  	_ =	shalt  }
0x4b: {  	_ =	shalt  }
0x4c: {  	_ =	shalt  }
0x4d: {  	_ =	shalt  }
0x4e: {  	_ =	shalt  }
0x4f: {  	_ =	shalt  }
0x50: {  	_ =	shalt  }
0x51: {  	_ =	shalt  }
0x52: {  	_ =	shalt  }
0x53: {  	_ =	shalt  }
0x54: {  	_ =	shalt  }
0x55: {  	_ =	shalt  }
0x56: {  	_ =	shalt  }
0x57: {  	_ =	shalt  }
0x58: {  	_ =	shalt  }
0x59: {  	_ =	shalt  }
0x5a: {  	_ =	shalt  }
0x5b: {  	_ =	shalt  }
0x5c: {  	_ =	shalt  }
0x5d: {  	_ =	shalt  }
0x5e: {  	_ =	shalt  }
0x5f: {  	_ =	shalt  }
0x60: {  	_ =	shalt  }
0x61: {  	_ =	shalt  }
0x62: {  	_ =	shalt  }
0x63: {  	_ =	shalt  }
0x64: {  	_ =	shalt  }
0x65: {  	_ =	shalt  }
0x66: {  	_ =	shalt  }
0x67: {  	_ =	shalt  }
0x68: {  	_ =	shalt  }
0x69: {  	_ =	shalt  }
0x6a: {  	_ =	shalt  }
0x6b: {  	_ =	shalt  }
0x6c: {  	_ =	shalt  }
0x6d: {  	_ =	shalt  }
0x6e: {  	_ =	shalt  }
0x6f: {  	_ =	shalt  }
0x70: {  	_ =	shalt  }
0x71: {  	_ =	shalt  }
0x72: {  	_ =	shalt  }
0x73: {  	_ =	shalt  }
0x74: {  	_ =	shalt  }
0x75: {  	_ =	shalt  }
0x76: {  	_ =	shalt  }
0x77: {  	_ =	shalt  }
0x78: {  	_ =	shalt  }
0x79: {  	_ =	shalt  }
0x7a: {  	_ =	shalt  }
0x7b: {  	_ =	shalt  }
0x7c: {  	_ =	shalt  }
0x7d: {  	_ =	shalt  }
0x7e: {  	_ =	shalt  }
0x7f: {  	_ =	shalt  }
0x80: {  	_ =	shalt  }
0x81: {  	_ =	shalt  }
0x82: {  	_ =	shalt  }
0x83: {  	_ =	shalt  }
0x84: {  	_ =	shalt  }
0x85: {  	_ =	shalt  }
0x86: {  	_ =	shalt  }
0x87: {  	_ =	shalt  }
.Lfunc_end0:
.L_simem_size_0:
called_computation_lowered:
.L_overlay_start_0:
0x88: {  	s0 =	sld [smem:$0x3FD9]  }
0x89: {  	s1 =	sld [smem:$0x3FFE];
	_ =	sdelay $0x3  }
0x8a: {  	s0 =	sadd.s32 s1, s0  }
0x8b: {  	[smem:$0x3FC5] =	sst s0  }
0x8c: {  	_ = 	snop  }
0x8d: {  	s0 =	sld [smem:$0x3FD0];
	_ =	sdelay $0x2  }
0x8e: {  	s2 =	simm.s32 $0xA;
	s3 =	simm.s32 $0x10;
	s13 =	sld [smem:$0x3FC9]  }
0x8f: {  	[smem:s3], [sflag:s2] =	dma.local [hbm:s0], $0x1  }
0x90: {  	_ =	swait.eq [sflag:s2], $0x1  }
0x91: {  	[sflag:s2] =	ssyncset.done $0x0  }
0x92: {  	s14 =	sld [smem:$0x10];
	[sflag:s2] =	ssyncadd.s32 $0xFFFFFFFF  }
0x93: {  	s15 =	sld [smem:$0x11];
	(tm) =	ssettm $0x1  }
0x94: {  	s16 =	sld [smem:$0x3FFB];
	_ =	sdelay $0x3  }
0x95: {  	_ =	strace s16  }
0x96: {  	s3 =	sld [smem:$0x3FFC];
	_ =	sdelay $0x3  }
0x97: {  	_ =	strace s3  }
0x98: {  	s3 =	sld [smem:$0x3FFD];
	_ =	sdelay $0x3  }
0x99: {  	_ =	strace s3  }
0x9a: {  	_ =	strace $0x8FFFFFFF  }
0x9b: {  	s17 =	sld [smem:$0x3FDB];
	_ =	sdelay $0x1  }
0x9c: {  	s4 =	simm.s32 $_scs_section_size  }
0x9d: {  	s5 =	simm.s32 $_size__tile_overlayer_lowered;
	s6 =	simm.s32 $_tile_overlayer_lowered  }
0x9e: {  	s20 =	simm.s32 $0x1BFF;
	s19 =	sshll.u32 s6, $0x1;
	s3 =	sadd.s32 s4, s17  }
0x9f: {  	s7 =	simm.s32 $0x0;
	s18 =	sshll.u32 s5, $0x1;
	s5 =	sadd.s32 s19, s3  }
0xa0: {  	[timem:s7], [sflag:s20] =	dma.local [hbm:s5], s18  }
0xa1: {  	_ =	swait.ge [sflag:s20], s18  }
0xa2: {  	s4 =	ssub.s32 $0x0, s18;
	[sflag:s20] =	ssyncset.done $0x0  }
0xa3: {  	[sflag:s20] =	ssyncadd.s32 s4;
	_ =	sdelay $0x1  }
0xa4: {  	s21 =	simm.s32 $0x1B8B  }
0xa5: {  	_ =	swait.ge [sflag:s21], $0x1  }
0xa6: {  	[sflag:s21] =	ssyncset.done $0x0  }
0xa7: {  	s23 =	simm.s32 $0x1B8E;
	s22 =	sld [smem:$0x3FFE];
	[sflag:s21] =	ssyncadd.s32 $0xFFFFFFFF  }
0xa8: {  	s24 =	simm.s32 $execute0_lowered;
	[smem:$0x3FD2] =	sst s23  }
0xa9: {  	s5 =	sshll.u32 s24, $0x1;
	_ =	strace $0x80000046;
	[dreg:$0x1] =	wrdreg $0xFFFFFFFF  }
0xaa: {  	s25 =	simm.s32 $_size_execute0_lowered;
	s3 =	sadd.s32 s3, s5;
	[dreg:$0x0] =	wrdreg $0x0  }
0xab: {  	s5 =	sshll.u32 s25, $0x1;
	[dreg:$0x2] =	wrdreg s3  }
0xac: {  	[dreg:$0x3] =	wrdreg s5  }
0xad: {  	[dreg:$0x4] =	wrdreg $0xC0  }
0xae: {  	_ =	task [dreg:s7], $0x5FFFF  }
0xaf: {  	[dreg:$0x1] =	wrdreg $0xFFFFFFFF  }
0xb0: {  	[dreg:$0x0] =	wrdreg $0x60  }
0xb1: {  	[dreg:$0x2] =	wrdreg s13  }
0xb2: {  	[dreg:$0x3] =	wrdreg s22  }
0xb3: {  	[dreg:$0x4] =	wrdreg s14  }
0xb4: {  	[dreg:$0x5] =	wrdreg s15  }
0xb5: {  	[dreg:$0x6] =	wrdreg $0x9  }
0xb6: {  	_ =	task.clear_ibuf [dreg:s7], $0x7FFFF;
	_ =	strace $0x90000046  }
0xb7: {  	s26 =	simm.s32 $0x9;
	_ =	strace $0x80000048  }
0xb8: {  	_ =	swait.ge [sflag:s26], $0x1  }
0xb9: {  	[sflag:s26] =	ssyncadd.s32 $0xFFFFFFFF  }
0xba: {  	_ =	strace $0x90000048  }
0xbb: {  	_ =	sfence  }
0xbc: {  	s28 =	sld [smem:$0x0];
	_ =	sdelay $0x1  }
0xbd: {  	s29 =	srdreg.scid  }
0xbe: {  	s30 =	sshll.u32 s29, $0xD;
	s31 =	sshrl.u32 s29, $0x2  }
0xbf: {  	s1 =	sand.u32 $0x1, s29;
	s2 =	sand.u32 $0x4000, s30;
	s0 =	sadd.s32 s31, s28  }
0xc0: {  	s1 =	sor.u32 s2, s1;
	s0 =	sshll.u32 s0, $0x11  }
0xc1: {  	s0 =	sor.u32 s0, s1  }
0xc2: {  	s0 =	sadd.s32 $0x8F2B, s0  }
0xc3: {  	[sflag:s0] =	ssyncadd.remote.s32 $0x1  }
0xc4: {  	_ =	sfence.sel $0xFFFF  }
0xc5: {  	[dreg:$0x0] =	wrdreg $0xFFFFFFFF;
	(pc) =	sbr.abs _section_cstart, $3  }
0xc6: {  	[dreg:$0x1] =	wrdreg $0xFFFFFFFF  }
0xc7: {  	_ =	task.clear_ibuf [dreg:s7], $0x2FFFF;
	_ =	strace $0x9FFFFFFF  }
0xc8: {  	(tm) =	ssettm $0x7FFFFFFF  }
0xc9: {  	_ =	shalt  }
tec
execute0_lowered:
.L_overlay_start_1:
0x0: {  	(tag) =	ssettag $0x1  }
0x1: {  	s0 =	rddreg [dreg:$0x0]  }
0x2: {  	s1 =	rddreg [dreg:$0x1]  }
0x3: {  	s2 =	rddreg [dreg:$0x2];
	s3 =	stileid.u32  }
0x4: {  	s4 =	rddreg [dreg:$0x3];
	p0 =	sgt.u32 s3, $0x1  }
0x5: {  	s5 =	rddreg [dreg:$0x4];
	s6 =	sand.u32 @!p0 $0x1, s3  }
0x6: {  	_ =	strace $0x80000047;
	p1 =	seq.s32 @!p0 s6, $0x1;
	s6 =	simm.s32 @!p0 $0x0  }
0x7: {  	[tilespmem:s6], [sflag:$0x1] =	stream.linear.gather @!p0 [hbm4b:s0+s6], $0x1, $0x38;
	[tilespmem:$0x420] =	vst v63  }
0x8: {  	s0 =	sadd.s32 $0xA00, s1;
	s1 =	sadd.s32 $0xC00, s1;
	p1 =	por !p1, p0  }
0x9: {  	s1 =	smov.u32 @p1 s0;
	s0 =	simm.s32 @!p0 $0x10  }
0xa: {  	[tilespmem:s0], [sflag:$0x1] =	stream.linear.gather @!p0 [hbm4b:s1+s6], $0x400, $0x38;
	[tilespmem:$0x420] =	vst v63  }
0xb: {  	s1 =	simm.s32 @!p0 $0x1  }
0xc: {  	_ =	swait.ge @!p0 [sflag:s1], $0x1  }
0xd: {  	[sflag:s1] =	ssyncset.done @!p0 $0x0  }
0xe: {  	[sflag:s1] =	ssyncadd.s32 @!p0 $0xFFFFFFFF  }
0xf: {  	_ =	swait.ge @!p0 [sflag:s1], $0x400  }
0x10: {  	[sflag:s1] =	ssyncset.done @!p0 $0x0  }
0x11: {  	[sflag:s1] =	ssyncadd.s32 @!p0 $0xFFFFFC00  }
0x12: {  	v0 =	vld @!p0 [tilespmem:$0x0];
	_ =	sdelay $0x3  }
0x13: {  	v1 =	vimm.s32 @!p0 $0x0;
	v2 =	vimm.s32 @!p0 $0x2020100  }
0x14: {  	v0 =	vperm.xlane @!p0 v0, v1;
	v1 =	vunpack.c.0.s8.s32 @!p0 v2  }
0x15: {  	vm0 =	vcmask @!p0 $0xF00  }
0x16: {  	v0 =	vshll.u32 @!p0 v0, $0x3;
	v1 =	vnsel @!p0 vm0, $0x2, v1  }
0x17: {  	v0 =	vor.u32 @!p0 v1, v0;
	_ =	sdelay $0x4  }
0x18: {  	v0 =	vld.idx.msk @!p0 [tilespmem:v0+s0+$0x0], $0xffff;
	_ =	sdelay $0x4  }
0x19: {  	s4 =	smov.u32 @p1 s2;
	s0 =	simm.s32 @!p0 $0x410;
	[tilespmem:$0x410] =	vst @!p0 v0  }
0x1a: {  	[hbm4b:s4+s6] =	stream.linear.scatter @!p0 [tilespmem:s0], [sflag:$0x2], $0x3, $0x38;
	[tilespmem:$0x420] =	vst v63  }
0x1b: {  	s0 =	simm.s32 @!p0 $0x2  }
0x1c: {  	_ =	swait.ge @!p0 [sflag:s0], $0x3  }
0x1d: {  	[sflag:s0] =	ssyncset.done @!p0 $0x0  }
0x1e: {  	[sflag:s0] =	ssyncadd.s32 @!p0 $0xFFFFFFFD  }
0x1f: {  	_ =	sfence.sel $0x180000  }
0x20: {  	[bflag:$0x0] =	sbarrier.arrive $0xFFFF  }
0x21: {  	p0 =	sne.s32 s3, $0x0;
	_ =	strace $0x90000047  }
0x22: {  	s0 =	sadd.s32 @!p0 $0x100000, s5;
	[bflag:$0x2] =	sbarrier.arrive $0xFFFF  }
0x23: {  	[sflag:s0] =	ssyncadd.tile.s32 @!p0 $0x1;
	_ =	shalt  }
.Lfunc_end2:
_tile_overlayer_lowered:
.L_overlay_start_2:
0x24: {  	(tag) =	ssettag $0x2  }
0x25: {  	s0 =	rddreg [dreg:$0x0];
	s2 =	stileid.u32  }
0x26: {  	s1 =	rddreg [dreg:$0x1];
	p0 =	sne.s32 s2, $0x0  }
0x27: {  	s3 =	rddreg [dreg:$0x2];
	[bflag:$0x3] =	sbarrier.arrive $0xFFFF;
	s2 =	simm.s32 @!p0 $0x1C02  }
0x28: {  	[timem:s3], [sflag:s2] =	dma.local @!p0 [hbm:s0], s1  }
0x29: {  	s0 =	simm.s32 @!p0 $0x2  }
0x2a: {  	_ =	swait.ge @!p0 [sflag:s0], s1  }
0x2b: {  	s1 =	ssub.s32 @!p0 $0x0, s1;
	[sflag:s0] =	ssyncset.done @!p0 $0x0  }
0x2c: {  	[sflag:s0] =	ssyncadd.s32 @!p0 s1  }
0x2d: {  	[bflag:$0x3] =	sbarrier.arrive $0xFFFF  }
0x2e: {  	_ =	shalt  }

</sc_bundles>
